<compile_context>
chip_gen: v7x
topology: tpu7x:2x2x1
jax: 0.10.2.dev20260603
libtpu: 0.0.44.dev20260713+nightly
codegen_flags: <defaults>
</compile_context>

<pallas_src>
import functools

import jax
import jax.numpy as jnp
from jax import lax
from jax.experimental import pallas as pl
from jax.experimental.pallas import tpu as pltpu
from jax.experimental.pallas import tpu_sc as plsc


@functools.partial(jax.jit, static_argnames=("bw", "rem", "dout"))
def _sc_gather(embed, idx, bw, rem, dout):
    n, d = embed.shape
    mesh = plsc.VectorSubcoreMesh(core_axis_name="c", subcore_axis_name="s")
    scratch = [
        pltpu.VMEM((bw,), jnp.int32),
        pltpu.VMEM((bw, d), jnp.float32),
        pltpu.SemaphoreType.DMA,
    ]
    if rem:
        scratch += [
            pltpu.VMEM((rem,), jnp.int32),
            pltpu.VMEM((rem, d), jnp.float32),
        ]

    @functools.partial(
        pl.kernel, mesh=mesh,
        out_type=jax.ShapeDtypeStruct((idx.shape[0], dout), jnp.float32),
        scratch_types=scratch,
    )
    def body(table_hbm, idx_hbm, out_hbm, idx_v, rows_v, sem, *tail):
        wid = lax.axis_index("s") * 2 + lax.axis_index("c")
        base = wid * bw
        pltpu.sync_copy(idx_hbm.at[pl.ds(base, bw)], idx_v)
        pltpu.async_copy(table_hbm.at[idx_v], rows_v, sem).wait()
        pltpu.sync_copy(rows_v, out_hbm.at[pl.ds(base, bw), pl.ds(0, d)])
        if rem:
            idx2_v, rows2_v = tail

            @pl.when(wid == 0)
            def _():
                tbase = 32 * bw
                pltpu.sync_copy(idx_hbm.at[pl.ds(tbase, rem)], idx2_v)
                pltpu.async_copy(table_hbm.at[idx2_v], rows2_v, sem).wait()
                pltpu.sync_copy(rows2_v,
                                out_hbm.at[pl.ds(tbase, rem), pl.ds(0, d)])

    return body(embed, idx)


def _epilogue(y, xb, w1_ref, b1_ref, w2_ref, b2_ref, o_ref, o16_ref):
    s = y + xb
    p = y * xb
    t = jax.lax.dot_general(
        s, w1_ref[...], (((1,), (1,)), ((), ())),
        preferred_element_type=jnp.float32)
    t = t + jax.lax.dot_general(
        p, w2_ref[...], (((1,), (1,)), ((), ())),
        preferred_element_type=jnp.float32)
    t = t + b1_ref[...] + b2_ref[...]
    t = jnp.where(t >= 0, t, 0.2 * t)
    o_ref[...] = t
    o16_ref[...] = t.astype(jnp.bfloat16)


def _xb_rows(xf_ref, bm):
    i = pl.program_id(0)
    return xf_ref[pl.ds(i * bm, bm), :].astype(jnp.float32)


def _layer1_body(bm, a_ref, xf_ref, w1_ref, b1_ref, w2_ref, b2_ref, _buf_ref,
                 o_ref, o16_ref, a16_ref):
    a16 = a_ref[...].astype(jnp.bfloat16)
    a16_ref[...] = a16
    y = jnp.dot(a16, xf_ref[...], preferred_element_type=jnp.float32)
    _epilogue(y, _xb_rows(xf_ref, bm), w1_ref, b1_ref, w2_ref, b2_ref,
              o_ref, o16_ref)


def _layer_bf16_body(bm, a_ref, xf_ref, w1_ref, b1_ref, w2_ref, b2_ref,
                     _buf_ref, o_ref, o16_ref):
    y = jnp.dot(a_ref[...], xf_ref[...], preferred_element_type=jnp.float32)
    _epilogue(y, _xb_rows(xf_ref, bm), w1_ref, b1_ref, w2_ref, b2_ref,
              o_ref, o16_ref)


def _common_specs(bm, n, d, col):
    in_specs = [
        pl.BlockSpec((bm, n), lambda i: (i, 0)),
        pl.BlockSpec((n, d), lambda i: (0, 0)),
        pl.BlockSpec((d, d), lambda i: (0, 0)),
        pl.BlockSpec((1, d), lambda i: (0, 0)),
        pl.BlockSpec((d, d), lambda i: (0, 0)),
        pl.BlockSpec((1, d), lambda i: (0, 0)),
        pl.BlockSpec((8, d), lambda i: (0, 0)),
    ]
    buf_spec = pl.BlockSpec((bm, d), lambda i: (i, col))
    x16_spec = pl.BlockSpec((bm, d), lambda i: (i, 0))
    return in_specs, buf_spec, x16_spec


@functools.partial(jax.jit, static_argnames=("bm", "col"))
def _layer1(a_hat, x16, buf, w1, b1, w2, b2, bm, col):
    n, d = x16.shape
    m = a_hat.shape[0]
    in_specs, buf_spec, x16_spec = _common_specs(bm, n, d, col)
    return pl.pallas_call(
        functools.partial(_layer1_body, bm),
        grid=(m // bm,),
        in_specs=in_specs,
        out_specs=[
            buf_spec,
            x16_spec,
            pl.BlockSpec((bm, n), lambda i: (i, 0)),
        ],
        out_shape=[
            jax.ShapeDtypeStruct(buf.shape, jnp.float32),
            jax.ShapeDtypeStruct((m, d), jnp.bfloat16),
            jax.ShapeDtypeStruct((m, n), jnp.bfloat16),
        ],
        input_output_aliases={6: 0},
    )(a_hat, x16, w1, b1, w2, b2, buf)


@functools.partial(jax.jit, static_argnames=("bm", "col"))
def _layer_bf16(a16, x16, buf, w1, b1, w2, b2, bm, col):
    n, d = x16.shape
    m = a16.shape[0]
    in_specs, buf_spec, x16_spec = _common_specs(bm, n, d, col)
    return pl.pallas_call(
        functools.partial(_layer_bf16_body, bm),
        grid=(m // bm,),
        in_specs=in_specs,
        out_specs=[buf_spec, x16_spec],
        out_shape=[
            jax.ShapeDtypeStruct(buf.shape, jnp.float32),
            jax.ShapeDtypeStruct((m, d), jnp.bfloat16),
        ],
        input_output_aliases={6: 0},
    )(a16, x16, w1, b1, w2, b2, buf)


def _run_layers(buf, A_hat, W11, b11, W12, b12, W21, b21, W22, b22, W31, b31,
                W32, b32):
    n = A_hat.shape[0]
    bm1 = 400 if n % 400 == 0 else n
    bm2 = 400 if n % 400 == 0 else n
    x0_16 = buf[:, :128].astype(jnp.bfloat16)
    b = [bb.reshape(1, -1) for bb in (b11, b12, b21, b22, b31, b32)]
    buf, x1_16, a16 = _layer1(A_hat, x0_16, buf, W11, b[0], W12, b[1],
                              bm1, 1)
    buf, x2_16 = _layer_bf16(a16, x1_16, buf, W21, b[2], W22, b[3], bm2, 2)
    buf, _ = _layer_bf16(a16, x2_16, buf, W31, b[4], W32, b[5], bm2, 3)
    return buf


def kernel(x, A_hat, embed, W11, b11, W12, b12, W21, b21, W22, b22, W31, b31,
           W32, b32):
    nb = x.shape[0]
    d = embed.shape[1]
    bw = (nb // 32) // 8 * 8
    rem = nb - 32 * bw
    buf = _sc_gather(embed, x, bw, rem, 4 * d)
    return _run_layers(buf, A_hat, W11, b11, W12, b12, W21, b21, W22, b22,
                       W31, b31, W32, b32)

# --- scband reference (transcript-rebuilt; emitter-appended) ---
"""Pipeline reference for scband-ngcf-66185446031938 (READ-ONLY COPY).

The authoritative reference and input builder live on the scoring server;
editing this copy changes nothing except your own understanding.
"""

import jax, jax.numpy as jnp
import numpy as np

N = 10000
D = 128


def setup_inputs(seed: int = 0) -> dict:
    key = jax.random.key(seed)
    ks = jax.random.split(key, 16)
    x = jax.random.randint(ks[0], (N,), 0, N)
    A_hat = jax.random.normal(ks[1], (N, N), dtype=jnp.float32)
    lim_e = float(np.sqrt(6.0 / (N + D)))
    embed = jax.random.uniform(ks[2], (N, D), dtype=jnp.float32, minval=-lim_e, maxval=lim_e)
    lim_w = float(np.sqrt(6.0 / (D + D)))
    inp = {"x": x, "A_hat": A_hat, "embed": embed}
    names = ["W11", "W12", "W21", "W22", "W31", "W32"]
    for i, nm in enumerate(names):
        inp[nm] = jax.random.uniform(ks[3 + i], (D, D), dtype=jnp.float32, minval=-lim_w, maxval=lim_w)
        inp["b" + nm[1:]] = jnp.zeros((D,), dtype=jnp.float32)
    return inp


def _leaky(z):
    return jnp.where(z >= 0, z, 0.2 * z)


def reference(x, A_hat, embed, W11, b11, W12, b12, W21, b21, W22, b22, W31, b31, W32, b32):
    # x = self.embed(x): embedding gather
    x0 = jnp.take(embed, x, axis=0)
    # layer 1: LightGraphConv = A_hat @ x0  (dropout_rate = 0.0 -> identity)
    x1 = A_hat @ x0
    x1 = _leaky((x1 + x0) @ W11.T + b11 + ((x1 * x0) @ W12.T + b12))
    # layer 2
    x2 = A_hat @ x1
    x2 = _leaky((x2 + x1) @ W21.T + b21 + ((x2 * x1) @ W22.T + b22))
    # layer 3
    x3 = A_hat @ x2
    x3 = _leaky((x3 + x2) @ W31.T + b31 + ((x3 * x2) @ W32.T + b32))
    return jnp.concatenate((x0, x1, x2, x3), axis=1)

if __name__ == "__main__":
    import jax
    _d = setup_inputs()
    print(jax.jit(kernel)(*tuple(_d.values())))

</pallas_src>

<mosaic_0001>
#map = affine_map<(d0, d1) -> (0, 0)>
#map1 = affine_map<(d0, d1) -> (0)>
module attributes {stable_mosaic.version = 14 : i64} {
  func.func @body(%arg0: i32, %arg1: i32, %arg2: memref<10000x128xf32, #tpu.memory_space<hbm>>, %arg3: memref<10000xi32, #tpu.memory_space<hbm>>, %arg4: memref<10000x512xf32, #tpu.memory_space<hbm>>, %arg5: memref<312xi32, #tpu.memory_space<vmem>>, %arg6: memref<312x128xf32, #tpu.memory_space<vmem>>, %arg7: memref<!tpu.dma_semaphore, #tpu.memory_space<semaphore_mem>>, %arg8: memref<16xi32, #tpu.memory_space<vmem>>, %arg9: memref<16x128xf32, #tpu.memory_space<vmem>>) attributes {dimension_semantics = [#tpu.dimension_semantics<core_parallel>, #tpu.dimension_semantics<subcore_parallel>], iteration_bounds = array<i64: 2, 16>, scalar_prefetch = 0 : i64, scratch_operands = 5 : i64, tpu.core_type = #tpu.core_type<sc_vector_subcore>, window_params = [{transform_indices = #map}, {transform_indices = #map1}, {transform_indices = #map}]} {
    %mul3A = arith.constant 2 : i32
    %mul3A_0 = arith.muli %arg1, %mul3A : i32
    %add3A = arith.addi %mul3A_0, %arg0 : i32
    %mul3A_1 = arith.constant 312 : i32
    %mul3A_2 = arith.muli %add3A, %mul3A_1 : i32
    "tpu.region"() ({
      %run_scoped3A = tpu.sem_alloc : memref<!tpu.dma_semaphore, #tpu.memory_space<semaphore_mem>>
      %dma_start3A_9 = tpu.memref_slice %arg3[%mul3A_2] : memref<10000xi32, #tpu.memory_space<hbm>> -> memref<312xi32, #tpu.memory_space<hbm>>
      %dma_start3A_10 = tpu.memref_slice %arg3[%mul3A_2] : memref<10000xi32, #tpu.memory_space<hbm>> -> memref<312xi32, #tpu.memory_space<hbm>>
      tpu.enqueue_dma source(%dma_start3A_10 : memref<312xi32, #tpu.memory_space<hbm>>) target(%arg5 : memref<312xi32, #tpu.memory_space<vmem>>) target_semaphore(%run_scoped3A : memref<!tpu.dma_semaphore, #tpu.memory_space<semaphore_mem>>)
      %dma_wait3A_11 = tpu.memref_slice %arg3[%mul3A_2] : memref<10000xi32, #tpu.memory_space<hbm>> -> memref<312xi32, #tpu.memory_space<hbm>>
      %dma_wait3A_12 = tpu.memref_slice %arg3[%mul3A_2] : memref<10000xi32, #tpu.memory_space<hbm>> -> memref<312xi32, #tpu.memory_space<hbm>>
      tpu.wait_dma2 semaphore(%run_scoped3A : memref<!tpu.dma_semaphore, #tpu.memory_space<semaphore_mem>>) src(%dma_wait3A_12 : memref<312xi32, #tpu.memory_space<hbm>>) dst(%arg5 : memref<312xi32, #tpu.memory_space<vmem>>)
      tpu.yield
    }) : () -> ()
    %dma_start3A = arith.constant 0 : i32
    %dma_start3A_3 = arith.constant 0 : i32
    %dma_start3A_4 = tpu.memref_slice %arg2[%dma_start3A, %dma_start3A_3] : memref<10000x128xf32, #tpu.memory_space<hbm>> -> memref<10000x128xf32, #tpu.memory_space<hbm>>
    tpu.enqueue_indirect_dma source(%dma_start3A_4 : memref<10000x128xf32, #tpu.memory_space<hbm>>) target(%arg6 : memref<312x128xf32, #tpu.memory_space<vmem>>) offsets(%arg5 : memref<312xi32, #tpu.memory_space<vmem>>) semaphore(%arg7 : memref<!tpu.dma_semaphore, #tpu.memory_space<semaphore_mem>>)
    %dma_wait3A = arith.constant 0 : i32
    %dma_wait3A_5 = arith.constant 0 : i32
    %dma_wait3A_6 = tpu.memref_slice %arg2[%dma_wait3A, %dma_wait3A_5] : memref<10000x128xf32, #tpu.memory_space<hbm>> -> memref<10000x128xf32, #tpu.memory_space<hbm>>
    tpu.wait_indirect_dma semaphore(%arg7 : memref<!tpu.dma_semaphore, #tpu.memory_space<semaphore_mem>>) src(%dma_wait3A_6 : memref<10000x128xf32, #tpu.memory_space<hbm>>) dst(%arg6 : memref<312x128xf32, #tpu.memory_space<vmem>>)
    "tpu.region"() ({
      %run_scoped3A = tpu.sem_alloc : memref<!tpu.dma_semaphore, #tpu.memory_space<semaphore_mem>>
      %dma_start3A_9 = arith.constant 0 : i32
      %dma_start3A_10 = tpu.memref_slice %arg4[%mul3A_2, %dma_start3A_9] : memref<10000x512xf32, #tpu.memory_space<hbm>> -> memref<312x128xf32, #tpu.memory_space<hbm>>
      %dma_start3A_11 = arith.constant 0 : i32
      %dma_start3A_12 = tpu.memref_slice %arg4[%mul3A_2, %dma_start3A_11] : memref<10000x512xf32, #tpu.memory_space<hbm>> -> memref<312x128xf32, #tpu.memory_space<hbm>>
      tpu.enqueue_dma source(%arg6 : memref<312x128xf32, #tpu.memory_space<vmem>>) target(%dma_start3A_12 : memref<312x128xf32, #tpu.memory_space<hbm>>) target_semaphore(%run_scoped3A : memref<!tpu.dma_semaphore, #tpu.memory_space<semaphore_mem>>)
      %dma_wait3A_13 = arith.constant 0 : i32
      %dma_wait3A_14 = tpu.memref_slice %arg4[%mul3A_2, %dma_wait3A_13] : memref<10000x512xf32, #tpu.memory_space<hbm>> -> memref<312x128xf32, #tpu.memory_space<hbm>>
      %dma_wait3A_15 = arith.constant 0 : i32
      %dma_wait3A_16 = tpu.memref_slice %arg4[%mul3A_2, %dma_wait3A_15] : memref<10000x512xf32, #tpu.memory_space<hbm>> -> memref<312x128xf32, #tpu.memory_space<hbm>>
      tpu.wait_dma2 semaphore(%run_scoped3A : memref<!tpu.dma_semaphore, #tpu.memory_space<semaphore_mem>>) src(%arg6 : memref<312x128xf32, #tpu.memory_space<vmem>>) dst(%dma_wait3A_16 : memref<312x128xf32, #tpu.memory_space<hbm>>)
      tpu.yield
    }) : () -> ()
    %eq3A = arith.constant 0 : i32
    %eq3A_7 = arith.cmpi eq, %add3A, %eq3A : i32
    %convert_element_type3A = arith.extui %eq3A_7 : i1 to i32
    %cond3A = arith.constant 0 : i32
    %cond3A_8 = arith.cmpi ne, %convert_element_type3A, %cond3A : i32
    scf.if %cond3A_8 {
      "tpu.region"() ({
        %run_scoped3A = tpu.sem_alloc : memref<!tpu.dma_semaphore, #tpu.memory_space<semaphore_mem>>
        %dma_start3A_15 = arith.constant 9984 : i32
        %dma_start3A_16 = tpu.memref_slice %arg3[%dma_start3A_15] : memref<10000xi32, #tpu.memory_space<hbm>> -> memref<16xi32, #tpu.memory_space<hbm>>
        %dma_start3A_17 = arith.constant 9984 : i32
        %dma_start3A_18 = tpu.memref_slice %arg3[%dma_start3A_17] : memref<10000xi32, #tpu.memory_space<hbm>> -> memref<16xi32, #tpu.memory_space<hbm>>
        tpu.enqueue_dma source(%dma_start3A_18 : memref<16xi32, #tpu.memory_space<hbm>>) target(%arg8 : memref<16xi32, #tpu.memory_space<vmem>>) target_semaphore(%run_scoped3A : memref<!tpu.dma_semaphore, #tpu.memory_space<semaphore_mem>>)
        %dma_wait3A_19 = arith.constant 9984 : i32
        %dma_wait3A_20 = tpu.memref_slice %arg3[%dma_wait3A_19] : memref<10000xi32, #tpu.memory_space<hbm>> -> memref<16xi32, #tpu.memory_space<hbm>>
        %dma_wait3A_21 = arith.constant 9984 : i32
        %dma_wait3A_22 = tpu.memref_slice %arg3[%dma_wait3A_21] : memref<10000xi32, #tpu.memory_space<hbm>> -> memref<16xi32, #tpu.memory_space<hbm>>
        tpu.wait_dma2 semaphore(%run_scoped3A : memref<!tpu.dma_semaphore, #tpu.memory_space<semaphore_mem>>) src(%dma_wait3A_22 : memref<16xi32, #tpu.memory_space<hbm>>) dst(%arg8 : memref<16xi32, #tpu.memory_space<vmem>>)
        tpu.yield
      }) : () -> ()
      %dma_start3A_9 = arith.constant 0 : i32
      %dma_start3A_10 = arith.constant 0 : i32
      %dma_start3A_11 = tpu.memref_slice %arg2[%dma_start3A_9, %dma_start3A_10] : memref<10000x128xf32, #tpu.memory_space<hbm>> -> memref<10000x128xf32, #tpu.memory_space<hbm>>
      tpu.enqueue_indirect_dma source(%dma_start3A_11 : memref<10000x128xf32, #tpu.memory_space<hbm>>) target(%arg9 : memref<16x128xf32, #tpu.memory_space<vmem>>) offsets(%arg8 : memref<16xi32, #tpu.memory_space<vmem>>) semaphore(%arg7 : memref<!tpu.dma_semaphore, #tpu.memory_space<semaphore_mem>>)
      %dma_wait3A_12 = arith.constant 0 : i32
      %dma_wait3A_13 = arith.constant 0 : i32
      %dma_wait3A_14 = tpu.memref_slice %arg2[%dma_wait3A_12, %dma_wait3A_13] : memref<10000x128xf32, #tpu.memory_space<hbm>> -> memref<10000x128xf32, #tpu.memory_space<hbm>>
      tpu.wait_indirect_dma semaphore(%arg7 : memref<!tpu.dma_semaphore, #tpu.memory_space<semaphore_mem>>) src(%dma_wait3A_14 : memref<10000x128xf32, #tpu.memory_space<hbm>>) dst(%arg9 : memref<16x128xf32, #tpu.memory_space<vmem>>)
      "tpu.region"() ({
        %run_scoped3A = tpu.sem_alloc : memref<!tpu.dma_semaphore, #tpu.memory_space<semaphore_mem>>
        %dma_start3A_15 = arith.constant 9984 : i32
        %dma_start3A_16 = arith.constant 0 : i32
        %dma_start3A_17 = tpu.memref_slice %arg4[%dma_start3A_15, %dma_start3A_16] : memref<10000x512xf32, #tpu.memory_space<hbm>> -> memref<16x128xf32, #tpu.memory_space<hbm>>
        %dma_start3A_18 = arith.constant 9984 : i32
        %dma_start3A_19 = arith.constant 0 : i32
        %dma_start3A_20 = tpu.memref_slice %arg4[%dma_start3A_18, %dma_start3A_19] : memref<10000x512xf32, #tpu.memory_space<hbm>> -> memref<16x128xf32, #tpu.memory_space<hbm>>
        tpu.enqueue_dma source(%arg9 : memref<16x128xf32, #tpu.memory_space<vmem>>) target(%dma_start3A_20 : memref<16x128xf32, #tpu.memory_space<hbm>>) target_semaphore(%run_scoped3A : memref<!tpu.dma_semaphore, #tpu.memory_space<semaphore_mem>>)
        %dma_wait3A_21 = arith.constant 9984 : i32
        %dma_wait3A_22 = arith.constant 0 : i32
        %dma_wait3A_23 = tpu.memref_slice %arg4[%dma_wait3A_21, %dma_wait3A_22] : memref<10000x512xf32, #tpu.memory_space<hbm>> -> memref<16x128xf32, #tpu.memory_space<hbm>>
        %dma_wait3A_24 = arith.constant 9984 : i32
        %dma_wait3A_25 = arith.constant 0 : i32
        %dma_wait3A_26 = tpu.memref_slice %arg4[%dma_wait3A_24, %dma_wait3A_25] : memref<10000x512xf32, #tpu.memory_space<hbm>> -> memref<16x128xf32, #tpu.memory_space<hbm>>
        tpu.wait_dma2 semaphore(%run_scoped3A : memref<!tpu.dma_semaphore, #tpu.memory_space<semaphore_mem>>) src(%arg9 : memref<16x128xf32, #tpu.memory_space<vmem>>) dst(%dma_wait3A_26 : memref<16x128xf32, #tpu.memory_space<hbm>>)
        tpu.yield
      }) : () -> ()
    } else {
    }
    return
  }
}

</mosaic_0001>

<sc_bundles>
// kernel: _sc_gather.3.cloned.1.call-start
scs
__scs_entry_jumppad:
0x0: {  	(pc) =	sbr.rel $0x88, $3  }
0x1: {  	(tag) =	ssettag $0x0;
	lr =	simm.s32 $0x1  }
0x2: {  	[smem:$0x3F9F] =	sst lr;
	_ =	strace $0xD0000000  }
0x3: {  	_ = 	snop  }
0x4: {  	_ = 	snop  }
0x5: {  	_ = 	snop  }
0x6: {  	_ = 	snop  }
0x7: {  	_ = 	snop  }
__scs_overlays_trampoline_lowered:
0x8: {  	[smem:$0x3FAE] =	sst s0  }
0x9: {  	[smem:$0x3FAF] =	sst s1  }
0xa: {  	[smem:$0x3FB0] =	sst s2  }
0xb: {  	[smem:$0x3FB1] =	sst s3  }
0xc: {  	[smem:$0x3FB2] =	sst s4  }
0xd: {  	[smem:$0x3FB3] =	sst s5  }
0xe: {  	[smem:$0x3FB4] =	sst s6  }
0xf: {  	[smem:$0x3FB5] =	sst s7  }
0x10: {  	[smem:$0x3FB6] =	sst s8  }
0x11: {  	[smem:$0x3FB7] =	sst s9;
	s0 =	simm.s32 @!p0 $0x0  }
0x12: {  	s1 =	sld [smem:$0x3F9D];
	s0 =	simm.s32 @p0 $0x1  }
0x13: {  	[smem:$0x3FB8] =	sst s0;
	s0 =	simm.s32 @!p1 $0x0  }
0x14: {  	s2 =	sld [smem:$0x3F9C];
	s0 =	simm.s32 @p1 $0x1  }
0x15: {  	[smem:$0x3FB9] =	sst s0;
	s0 =	simm.s32 @!p2 $0x0  }
0x16: {  	s3 =	sld [smem:$0x3FDB];
	s0 =	simm.s32 @p2 $0x1  }
0x17: {  	s4 =	simm.s32 $0x1BF5;
	[smem:$0x3FBB] =	sst s0  }
0x18: {  	s0 =	sld [smem:$0x3F9E];
	_ =	swait.ge [sflag:s4], $0x0  }
0x19: {  	s7 =	sld [smem:$0x3F9F]  }
0x1a: {  	s8 =	sadd.s32 $0xFFFFE003, lr  }
0x1b: {  	s9 =	sadd.s32 $0xFFFFFEF7, lr;
	s5 =	simm.s32 $0xFFFFFFFF;
	p2 =	slt.u32 s8, $0xFFFFF086  }
0x1c: {  	p1 =	slt.u32 s9, $0xF7A;
	s5 =	simm.s32 @!p2 $0x0  }
0x1d: {  	s5 =	simm.s32 @p1 $0x1;
	p0 =	seq.s32 s7, s2  }
0x1e: {  	s7 =	smul.u32 @!p0 $0xF7A, s2;
	p2 =	seq.s32 @!p0 s5, $0x0  }
0x1f: {  	s9 =	smul.u32 $0xF7A, s1;
	s8 =	simm.s32 @!p0 $0x1BF5;
	p2 =	por !p2, p0  }
0x20: {  	[sflag:s8] =	ssyncset.s32 @!p0 $0xFFFFF086;
	s6 =	sadd.s32 @!p0 s3, s7;
	s7 =	simm.s32 @!p0 $0x108  }
0x21: {  	s3 =	sadd.s32 s3, s9;
	s6 =	sadd.s32 @!p0 $0x88, s6;
	s7 =	simm.s32 @p2 $0x1082  }
0x22: {  	[simem:s7], [sflag:s8] =	dma.local @!p0 [hbm:s6], $0xF7A  }
0x23: {  	s9 =	sor.u32 $0xD0000000, s2;
	s6 =	simm.s32 $0x108;
	_ =	swait.ge @!p0 [sflag:s8], $0x0  }
0x24: {  	s3 =	sadd.s32 $0x88, s3;
	s6 =	simm.s32 @!p1 $0x1082;
	[sflag:s4] =	ssyncset.s32 $0xFFFFF086  }
0x25: {  	[simem:s6], [sflag:s4] =	dma.local [hbm:s3], $0xF7A  }
0x26: {  	[smem:$0x3F9F] =	sst s1;
	(tag) =	ssettag s2;
	_ =	strace s9  }
0x27: {  	s1 =	sld [smem:$0x3FAF]  }
0x28: {  	s2 =	sld [smem:$0x3FB0]  }
0x29: {  	s4 =	sld [smem:$0x3FB2]  }
0x2a: {  	p0 =	seq.s32 s5, $0x0;
	s5 =	sld [smem:$0x3FB3]  }
0x2b: {  	s6 =	sld [smem:$0x3FB4]  }
0x2c: {  	s7 =	sld [smem:$0x3FB5]  }
0x2d: {  	s3 =	simm.s32 $0x108;
	s8 =	sld [smem:$0x3FB6]  }
0x2e: {  	s3 =	simm.s32 @!p0 $0x1082;
	s9 =	sld [smem:$0x3FB7]  }
0x2f: {  	lr =	sadd.s32 s0, s3;
	s0 =	sld [smem:$0x3FAE]  }
0x30: {  	s3 =	sld [smem:$0x3FB1]  }
0x31: {  	[smem:$0x3FBA] =	sst s10  }
0x32: {  	s10 =	sld [smem:$0x3FB8];
	_ =	sdelay $0x3  }
0x33: {  	p0 =	seq.s32 s10, $0x1;
	s10 =	sld [smem:$0x3FBA];
	_ =	sdelay $0x3  }
0x34: {  	[smem:$0x3FBA] =	sst s10  }
0x35: {  	s10 =	sld [smem:$0x3FB9];
	_ =	sdelay $0x3  }
0x36: {  	p1 =	seq.s32 s10, $0x1;
	s10 =	sld [smem:$0x3FBA];
	_ =	sdelay $0x3  }
0x37: {  	[smem:$0x3FBA] =	sst s10  }
0x38: {  	s10 =	sld [smem:$0x3FBB]  }
0x39: {  	_ = 	snop;
	(pc) =	sbr.ind lr, $3  }
0x3a: {  	_ = 	snop  }
0x3b: {  	_ = 	snop  }
0x3c: {  	p2 =	seq.s32 s10, $0x1;
	s10 =	sld [smem:$0x3FBA]  }
0x3d: {  	_ =	shalt  }
0x3e: {  	_ =	shalt  }
0x3f: {  	_ =	shalt  }
0x40: {  	_ =	shalt  }
0x41: {  	_ =	shalt  }
0x42: {  	_ =	shalt  }
0x43: {  	_ =	shalt  }
0x44: {  	_ =	shalt  }
0x45: {  	_ =	shalt  }
0x46: {  	_ =	shalt  }
0x47: {  	_ =	shalt  }
0x48: {  	_ =	shalt  }
0x49: {  	_ =	shalt  }
0x4a: {  	_ =	shalt  }
0x4b: {  	_ =	shalt  }
0x4c: {  	_ =	shalt  }
0x4d: {  	_ =	shalt  }
0x4e: {  	_ =	shalt  }
0x4f: {  	_ =	shalt  }
0x50: {  	_ =	shalt  }
0x51: {  	_ =	shalt  }
0x52: {  	_ =	shalt  }
0x53: {  	_ =	shalt  }
0x54: {  	_ =	shalt  }
0x55: {  	_ =	shalt  }
0x56: {  	_ =	shalt  }
0x57: {  	_ =	shalt  }
0x58: {  	_ =	shalt  }
0x59: {  	_ =	shalt  }
0x5a: {  	_ =	shalt  }
0x5b: {  	_ =	shalt  }
0x5c: {  	_ =	shalt  }
0x5d: {  	_ =	shalt  }
0x5e: {  	_ =	shalt  }
0x5f: {  	_ =	shalt  }
0x60: {  	_ =	shalt  }
0x61: {  	_ =	shalt  }
0x62: {  	_ =	shalt  }
0x63: {  	_ =	shalt  }
0x64: {  	_ =	shalt  }
0x65: {  	_ =	shalt  }
0x66: {  	_ =	shalt  }
0x67: {  	_ =	shalt  }
0x68: {  	_ =	shalt  }
0x69: {  	_ =	shalt  }
0x6a: {  	_ =	shalt  }
0x6b: {  	_ =	shalt  }
0x6c: {  	_ =	shalt  }
0x6d: {  	_ =	shalt  }
0x6e: {  	_ =	shalt  }
0x6f: {  	_ =	shalt  }
0x70: {  	_ =	shalt  }
0x71: {  	_ =	shalt  }
0x72: {  	_ =	shalt  }
0x73: {  	_ =	shalt  }
0x74: {  	_ =	shalt  }
0x75: {  	_ =	shalt  }
0x76: {  	_ =	shalt  }
0x77: {  	_ =	shalt  }
0x78: {  	_ =	shalt  }
0x79: {  	_ =	shalt  }
0x7a: {  	_ =	shalt  }
0x7b: {  	_ =	shalt  }
0x7c: {  	_ =	shalt  }
0x7d: {  	_ =	shalt  }
0x7e: {  	_ =	shalt  }
0x7f: {  	_ =	shalt  }
0x80: {  	_ =	shalt  }
0x81: {  	_ =	shalt  }
0x82: {  	_ =	shalt  }
0x83: {  	_ =	shalt  }
0x84: {  	_ =	shalt  }
0x85: {  	_ =	shalt  }
0x86: {  	_ =	shalt  }
0x87: {  	_ =	shalt  }
.Lfunc_end0:
.L_simem_size_0:
called_computation_lowered:
.L_overlay_start_0:
0x88: {  	s2 =	sld [smem:$0x3FD9]  }
0x89: {  	s3 =	sld [smem:$0x3FFE];
	_ =	sdelay $0x1  }
0x8a: {  	s1 =	srdreg.scid  }
0x8b: {  	s0 =	sand.u32 $0x1, s1  }
0x8c: {  	s18 =	sshll.u32 s0, $0xA;
	s2 =	sadd.s32 s3, s2  }
0x8d: {  	s2 =	sadd.s32 s2, s18  }
0x8e: {  	[smem:$0x3FC6] =	sst s2  }
0x8f: {  	_ = 	snop  }
0x90: {  	s2 =	sld [smem:$0x3FC9]  }
0x91: {  	s19 =	sld [smem:$0x3FC8]  }
0x92: {  	s4 =	sld [smem:$0x3FD0];
	(tm) =	ssettm $0x1  }
0x93: {  	s5 =	sld [smem:$0x3FFB];
	_ =	sdelay $0x3  }
0x94: {  	_ =	strace s5  }
0x95: {  	s5 =	sld [smem:$0x3FFC];
	_ =	sdelay $0x3  }
0x96: {  	_ =	strace s5  }
0x97: {  	s5 =	sld [smem:$0x3FFD];
	_ =	sdelay $0x3  }
0x98: {  	_ =	strace s5  }
0x99: {  	_ =	strace $0x8FFFFFFF  }
0x9a: {  	s20 =	sld [smem:$0x3FDB];
	_ =	sdelay $0x1  }
0x9b: {  	s6 =	simm.s32 $_scs_section_size  }
0x9c: {  	s7 =	simm.s32 $_size__tile_overlayer_lowered;
	s8 =	simm.s32 $_tile_overlayer_lowered  }
0x9d: {  	s23 =	simm.s32 $0x1BFF;
	s22 =	sshll.u32 s8, $0x1;
	s5 =	sadd.s32 s6, s20  }
0x9e: {  	s9 =	simm.s32 $0x0;
	s21 =	sshll.u32 s7, $0x1;
	s7 =	sadd.s32 s22, s5  }
0x9f: {  	[timem:s9], [sflag:s23] =	dma.local [hbm:s7], s21  }
0xa0: {  	_ =	swait.ge [sflag:s23], s21  }
0xa1: {  	s6 =	ssub.s32 $0x0, s21;
	[sflag:s23] =	ssyncset.done $0x0  }
0xa2: {  	[sflag:s23] =	ssyncadd.s32 s6;
	_ =	sdelay $0x1  }
0xa3: {  	s24 =	simm.s32 $0x1B8B  }
0xa4: {  	_ =	swait.ge [sflag:s24], $0x1  }
0xa5: {  	[sflag:s24] =	ssyncset.done $0x0  }
0xa6: {  	s25 =	simm.s32 $0x1B8E;
	[sflag:s24] =	ssyncadd.s32 $0xFFFFFFFF  }
0xa7: {  	s26 =	simm.s32 $execute0_lowered;
	[smem:$0x3FD2] =	sst s25  }
0xa8: {  	s6 =	sshll.u32 s26, $0x1;
	_ =	strace $0x80000046;
	[dreg:$0x1] =	wrdreg $0xFFFFFFFF  }
0xa9: {  	s28 =	simm.s32 $_size_execute0_lowered;
	s5 =	sadd.s32 s5, s6;
	[dreg:$0x0] =	wrdreg $0x0  }
0xaa: {  	s6 =	sshll.u32 s28, $0x1;
	[dreg:$0x2] =	wrdreg s5  }
0xab: {  	[dreg:$0x3] =	wrdreg s6  }
0xac: {  	[dreg:$0x4] =	wrdreg $0xC0  }
0xad: {  	_ =	task [dreg:s9], $0x5FFFF  }
0xae: {  	[dreg:$0x1] =	wrdreg $0xFFFFFFFF  }
0xaf: {  	[dreg:$0x0] =	wrdreg $0x60  }
0xb0: {  	[dreg:$0x2] =	wrdreg s2  }
0xb1: {  	[dreg:$0x3] =	wrdreg s19  }
0xb2: {  	[dreg:$0x4] =	wrdreg s4  }
0xb3: {  	[dreg:$0x5] =	wrdreg $0x9  }
0xb4: {  	_ =	task.clear_ibuf [dreg:s9], $0x6FFFF;
	_ =	strace $0x90000046  }
0xb5: {  	s29 =	simm.s32 $0x9;
	_ =	strace $0x80000048  }
0xb6: {  	_ =	swait.ge [sflag:s29], $0x1  }
0xb7: {  	[sflag:s29] =	ssyncadd.s32 $0xFFFFFFFF  }
0xb8: {  	_ =	strace $0x90000048  }
0xb9: {  	_ =	sfence  }
0xba: {  	s30 =	sld [smem:$0x0];
	_ =	sdelay $0x2  }
0xbb: {  	s31 =	sshll.u32 s1, $0xD;
	s1 =	sshrl.u32 s1, $0x2  }
0xbc: {  	s3 =	sand.u32 $0x4000, s31;
	s1 =	sadd.s32 s1, s30  }
0xbd: {  	s0 =	sor.u32 s3, s0;
	s1 =	sshll.u32 s1, $0x11  }
0xbe: {  	s0 =	sor.u32 s1, s0  }
0xbf: {  	s0 =	sadd.s32 $0x8F2B, s0  }
0xc0: {  	[sflag:s0] =	ssyncadd.remote.s32 $0x1  }
0xc1: {  	_ =	sfence.sel $0xFFFF  }
0xc2: {  	[dreg:$0x0] =	wrdreg $0xFFFFFFFF;
	(pc) =	sbr.abs _section_cstart, $3  }
0xc3: {  	[dreg:$0x1] =	wrdreg $0xFFFFFFFF  }
0xc4: {  	_ =	task.clear_ibuf [dreg:s9], $0x2FFFF;
	_ =	strace $0x9FFFFFFF  }
0xc5: {  	(tm) =	ssettm $0x7FFFFFFF  }
tec
execute0_lowered:
.L_overlay_start_1:
0x0: {  	(tag) =	ssettag $0x1  }
0x1: {  	s1 =	srdreg.scid;
	s0 =	stileid.u32  }
0x2: {  	s2 =	rddreg [dreg:$0x0];
	s13 =	sand.u32 $0x1, s1;
	s31 =	sshll.u32 s0, $0x1  }
0x3: {  	s12 =	rddreg [dreg:$0x1];
	s14 =	sor.u32 s13, s31  }
0x4: {  	s19 =	rddreg [dreg:$0x2];
	s3 =	simm.s32 $0x0;
	s4 =	smul.u32 $0x27, s14  }
0x5: {  	s5 =	simm.s32 $0x2;
	[smem:$0x7FF] =	sst s3  }
0x6: {  	s1 =	rddreg [dreg:$0x3];
	_ =	strace $0x80000047;
	s4 =	sadd.s32 s12, s4  }
0x7: {  	[tilespmem:s3], [sflag:$0x2] =	stream.linear.gather [hbm4b:s4+s3], $0x138, $0x38;
	[tilespmem:$0xA600] =	vst v63  }
0x8: {  	_ =	swait.ge [sflag:s5], $0x138  }
0x9: {  	s6 =	simm.s32 $0x138;
	[sflag:s5] =	ssyncset.done $0x0  }
0xa: {  	s7 =	simm.s32 $0x180;
	s8 =	simm.s32 $0x1;
	[sflag:s5] =	ssyncadd.s32 $0xFFFFFEC8  }
0xb: {  	[tilespmem:s7], [sflag:$0x1] =	stream.indirect.gather [hbm4b:s2+s6], $0x80, s3, s6, $0xb8;
	[tilespmem:$0xA600] =	vst v63  }
0xc: {  	s9 =	smul.u32 $0x4E00, s14;
	_ =	swait.ge [sflag:s8], $0x9C00  }
0xd: {  	s10 =	simm.s32 $0x400;
	s11 =	simm.s32 $0x1000;
	[sflag:s8] =	ssyncset.done $0x0  }
0xe: {  	s16 =	ssub.s32 $0x2, s13;
	s9 =	sadd.s32 s19, s9;
	[sflag:s8] =	ssyncadd.s32 $0xFFFF6400  }
0xf: {  	[hbm4b:s9+s10] =	stream.strided.scatter [tilespmem:s7], [sflag:$0x2], $0x9C00, s11, s10, $0x38;
	[tilespmem:$0xA600] =	vst v63  }
0x10: {  	s13 =	sadd.s32 $0x4E0, s12;
	p0 =	sne.s32 s14, $0x0;
	_ =	swait.ge [sflag:s5], $0x9C00  }
0x11: {  	s17 =	sshrl.u32 s16, $0x1;
	s14 =	simm.s32 @!p0 $0x0;
	[sflag:s5] =	ssyncset.done $0x0  }
0x12: {  	s15 =	simm.s32 @!p0 $0x9D80;
	s12 =	simm.s32 @!p0 $0x2;
	[sflag:s5] =	ssyncadd.s32 $0xFFFF6400  }
0x13: {  	[tilespmem:s15], [sflag:$0x2] =	stream.linear.gather @!p0 [hbm4b:s13+s14], $0x10, $0x38;
	[tilespmem:$0xA600] =	vst v63  }
0x14: {  	s20 =	ssub.s32 s16, s17;
	s16 =	simm.s32 @!p0 $0x1;
	_ =	swait.ge @!p0 [sflag:s12], $0x10  }
0x15: {  	s17 =	simm.s32 @!p0 $0x10;
	s20 =	smax.u32 s20, $0x1;
	[sflag:s12] =	ssyncset.done @!p0 $0x0  }
0x16: {  	s18 =	simm.s32 @!p0 $0x9E00;
	s20 =	sadd.s32 $0xFFFFFFFF, s20;
	[sflag:s12] =	ssyncadd.s32 @!p0 $0xFFFFFFF0  }
0x17: {  	[tilespmem:s18], [sflag:$0x1] =	stream.indirect.gather @!p0 [hbm4b:s2+s17], $0x80, s15, s17, $0xb8;
	[tilespmem:$0xA600] =	vst v63  }
0x18: {  	p1 =	sne.s32 s20, $0x0;
	_ =	swait.ge @!p0 [sflag:s16], $0x800  }
.Ltmp0:
0x19: {  	s21 =	simm.s32 @!p0 $0x400;
	[sflag:s16] =	ssyncset.done @!p0 $0x0;
	(pc) =	sbr.rel @!p1 .LBB2_2-.Ltmp0, $4  }
0x1a: {  	s22 =	simm.s32 @!p0 $0x1000;
	s19 =	sadd.s32 $0x9C000, s19;
	[sflag:s16] =	ssyncadd.s32 @!p0 $0xFFFFF800  }
0x1b: {  	[hbm4b:s19+s21] =	stream.strided.scatter @!p0 [tilespmem:s18], [sflag:$0x2], $0x800, s22, s21, $0x38;
	[tilespmem:$0xA600] =	vst v63  }
0x1c: {  	_ =	swait.ge @!p0 [sflag:s12], $0x800  }
0x1d: {  	[sflag:s12] =	ssyncset.done @!p0 $0x0  }
.LBB2_1:
0x1e: {  	s20 =	sadd.s32 $0xFFFFFFFF, s20;
	[sflag:s12] =	ssyncadd.s32 @!p0 $0xFFFFF800  }
0x1f: {  	[tilespmem:s3], [sflag:$0x2] =	stream.linear.gather [hbm4b:s4+s3], $0x138, $0x38;
	[tilespmem:$0xA600] =	vst v63  }
0x20: {  	p1 =	sne.s32 s20, $0x0;
	_ =	swait.ge [sflag:s5], $0x138  }
0x21: {  	[sflag:s5] =	ssyncset.done $0x0  }
0x22: {  	[sflag:s5] =	ssyncadd.s32 $0xFFFFFEC8  }
0x23: {  	[tilespmem:s7], [sflag:$0x1] =	stream.indirect.gather [hbm4b:s2+s6], $0x80, s3, s6, $0xb8;
	[tilespmem:$0xA600] =	vst v63  }
0x24: {  	_ =	swait.ge [sflag:s8], $0x9C00  }
0x25: {  	[sflag:s8] =	ssyncset.done $0x0  }
0x26: {  	[sflag:s8] =	ssyncadd.s32 $0xFFFF6400  }
0x27: {  	[hbm4b:s9+s10] =	stream.strided.scatter [tilespmem:s7], [sflag:$0x2], $0x9C00, s11, s10, $0x38;
	[tilespmem:$0xA600] =	vst v63  }
0x28: {  	_ =	swait.ge [sflag:s5], $0x9C00  }
0x29: {  	[sflag:s5] =	ssyncset.done $0x0  }
0x2a: {  	[sflag:s5] =	ssyncadd.s32 $0xFFFF6400  }
0x2b: {  	[tilespmem:s15], [sflag:$0x2] =	stream.linear.gather @!p0 [hbm4b:s13+s14], $0x10, $0x38;
	[tilespmem:$0xA600] =	vst v63  }
0x2c: {  	_ =	swait.ge @!p0 [sflag:s12], $0x10  }
0x2d: {  	[sflag:s12] =	ssyncset.done @!p0 $0x0  }
0x2e: {  	[sflag:s12] =	ssyncadd.s32 @!p0 $0xFFFFFFF0  }
0x2f: {  	[tilespmem:s18], [sflag:$0x1] =	stream.indirect.gather @!p0 [hbm4b:s2+s17], $0x80, s15, s17, $0xb8;
	[tilespmem:$0xA600] =	vst v63  }
0x30: {  	_ =	swait.ge @!p0 [sflag:s16], $0x800  }
.Ltmp1:
0x31: {  	[sflag:s16] =	ssyncset.done @!p0 $0x0;
	(pc) =	sbr.rel @p1 .LBB2_1-.Ltmp1, $4  }
0x32: {  	[sflag:s16] =	ssyncadd.s32 @!p0 $0xFFFFF800  }
0x33: {  	[hbm4b:s19+s21] =	stream.strided.scatter @!p0 [tilespmem:s18], [sflag:$0x2], $0x800, s22, s21, $0x38;
	[tilespmem:$0xA600] =	vst v63  }
0x34: {  	_ =	swait.ge @!p0 [sflag:s12], $0x800  }
0x35: {  	[sflag:s12] =	ssyncset.done @!p0 $0x0  }
.LBB2_2:
0x36: {  	[sflag:s12] =	ssyncadd.s32 @!p0 $0xFFFFF800  }
0x37: {  	_ =	sfence.sel $0x180000  }
0x38: {  	[bflag:$0x0] =	sbarrier.arrive $0xFFFF  }
0x39: {  	p0 =	sne.s32 s0, $0x0;
	_ =	strace $0x90000047  }
0x3a: {  	s0 =	sadd.s32 @!p0 $0x100000, s1;
	[bflag:$0x2] =	sbarrier.arrive $0xFFFF  }
0x3b: {  	[sflag:s0] =	ssyncadd.tile.s32 @!p0 $0x1;
	_ =	shalt  }
.Lfunc_end2:
_tile_overlayer_lowered:
.L_overlay_start_2:
0x3c: {  	(tag) =	ssettag $0x2  }
0x3d: {  	s0 =	rddreg [dreg:$0x0];
	s2 =	stileid.u32  }
0x3e: {  	s1 =	rddreg [dreg:$0x1];
	p0 =	sne.s32 s2, $0x0  }
0x3f: {  	s3 =	rddreg [dreg:$0x2];
	[bflag:$0x3] =	sbarrier.arrive $0xFFFF;
	s2 =	simm.s32 @!p0 $0x1C02  }
0x40: {  	[timem:s3], [sflag:s2] =	dma.local @!p0 [hbm:s0], s1  }
0x41: {  	s0 =	simm.s32 @!p0 $0x2  }
0x42: {  	_ =	swait.ge @!p0 [sflag:s0], s1  }
0x43: {  	s1 =	ssub.s32 @!p0 $0x0, s1;
	[sflag:s0] =	ssyncset.done @!p0 $0x0  }
0x44: {  	[sflag:s0] =	ssyncadd.s32 @!p0 s1  }
0x45: {  	[bflag:$0x3] =	sbarrier.arrive $0xFFFF  }
0x46: {  	_ =	shalt  }

</sc_bundles>
